<compile_context>
chip_gen: v7x
topology: tpu7x:2x2x1
jax: 0.10.2.dev20260603
libtpu: 0.0.44.dev20260713+nightly
codegen_flags: <defaults>
</compile_context>

<pallas_src>
import functools

import jax
import jax.numpy as jnp
from jax import lax
from jax.experimental import pallas as pl
from jax.experimental.pallas import tpu as pltpu
from jax.experimental.pallas import tpu_sc as plsc

VOCAB = 100000
HIDDEN = 1024
B = 4
S = 2048
N = B * S
NC = 2
NS = 16
NW = NC * NS
ROWS_PER_W = N // NW
CHUNK = 32
NCHUNK = ROWS_PER_W // CHUNK
EPS = 1e-3
TBLK = 256


@functools.partial(
    pl.kernel,
    mesh=plsc.VectorSubcoreMesh(core_axis_name="c", subcore_axis_name="s"),
    out_type=jax.ShapeDtypeStruct((N, HIDDEN), jnp.float32),
    scratch_types=[
        pltpu.VMEM((ROWS_PER_W,), jnp.int32),
        pltpu.VMEM((CHUNK, HIDDEN), jnp.float32),
        pltpu.VMEM((CHUNK, HIDDEN), jnp.float32),
        pltpu.SemaphoreType.DMA,
        pltpu.SemaphoreType.DMA,
        pltpu.SemaphoreType.DMA,
        pltpu.SemaphoreType.DMA,
    ],
)
def _gather_sc(tok_hbm, we_hbm, out_hbm, idx_v, rb0, rb1,
               sg0, sg1, so0, so1):
    rbufs = (rb0, rb1)
    sg = (sg0, sg1)
    so = (so0, so1)

    wid = lax.axis_index("s") * NC + lax.axis_index("c")
    base = wid * ROWS_PER_W
    pltpu.sync_copy(tok_hbm.at[pl.ds(base, ROWS_PER_W)], idx_v)

    def g_desc(c, b):
        return pltpu.make_async_copy(
            we_hbm.at[idx_v.at[pl.ds(c * CHUNK, CHUNK)]], rbufs[b], sg[b])

    def w_desc(c, b):
        return pltpu.make_async_copy(
            rbufs[b], out_hbm.at[pl.ds(base + c * CHUNK, CHUNK)], so[b])

    def start_gather(c, b):
        pltpu.async_copy(we_hbm.at[idx_v.at[pl.ds(c * CHUNK, CHUNK)]],
                         rbufs[b], sg[b])

    def start_wb(c, b):
        pltpu.async_copy(rbufs[b],
                         out_hbm.at[pl.ds(base + c * CHUNK, CHUNK)], so[b])

    def pair_body(pair, carry):
        for b in (0, 1):
            c = pair * 2 + b

            @pl.when(c >= 2)
            def _():
                w_desc(c - 2, b).wait()

            start_gather(c, b)

            @pl.when(c >= 1)
            def _():
                g_desc(c - 1, 1 - b).wait()
                start_wb(c - 1, 1 - b)
        return carry

    lax.fori_loop(0, NCHUNK // 2, pair_body, 0)
    g_desc(NCHUNK - 1, 1).wait()
    start_wb(NCHUNK - 1, 1)
    w_desc(NCHUNK - 2, 0).wait()
    w_desc(NCHUNK - 1, 1).wait()


def _ln_body(g_ref, seg_ref, pos_ref, tte_ref, gam_ref, bet_ref, out_ref):
    g = g_ref[...]
    segf = seg_ref[...]
    t0 = tte_ref[0:1, :]
    dt = tte_ref[1:2, :] - t0
    v = g + pos_ref[...] + t0 + segf * dt
    mean = jnp.mean(v, axis=-1, keepdims=True)
    var = jnp.mean(v * v, axis=-1, keepdims=True) - mean * mean
    w = (v - mean) * lax.rsqrt(var + EPS)
    out_ref[...] = w * gam_ref[...] + bet_ref[...]


def _ln_tc(gathered, segf, pos, tte, gam2d, bet2d):
    nblk = N // TBLK
    wpb = S // TBLK
    return pl.pallas_call(
        _ln_body,
        grid=(nblk,),
        in_specs=[
            pl.BlockSpec((TBLK, HIDDEN), lambda k: (k, 0)),
            pl.BlockSpec((TBLK, 1), lambda k: (k, 0)),
            pl.BlockSpec((TBLK, HIDDEN), lambda k: (k % wpb, 0)),
            pl.BlockSpec((2, HIDDEN), lambda k: (0, 0)),
            pl.BlockSpec((1, HIDDEN), lambda k: (0, 0)),
            pl.BlockSpec((1, HIDDEN), lambda k: (0, 0)),
        ],
        out_specs=pl.BlockSpec((TBLK, HIDDEN), lambda k: (k, 0)),
        out_shape=jax.ShapeDtypeStruct((N, HIDDEN), jnp.float32),
    )(gathered, segf, pos, tte, gam2d, bet2d)


def kernel(token, segment, word_embeddings, token_type_embeddings,
           position_embeddings, ln_gamma, ln_beta):
    tok = token.reshape(N).astype(jnp.int32)
    segf = segment.reshape(N, 1).astype(jnp.float32)
    gathered = _gather_sc(tok, word_embeddings)
    out = _ln_tc(gathered, segf, position_embeddings,
                 token_type_embeddings, ln_gamma.reshape(1, HIDDEN),
                 ln_beta.reshape(1, HIDDEN))
    return out.reshape(B, S, HIDDEN)

# --- scband reference (transcript-rebuilt; emitter-appended) ---
"""Pipeline reference for scband-input-embedding-68221260530221 (READ-ONLY COPY).

The authoritative reference and input builder live on the scoring server;
editing this copy changes nothing except your own understanding.
"""

import jax, jax.numpy as jnp
import numpy as np

VOCAB = 100000
HIDDEN = 1024
MAX_POS = 2048
B, S = 4, 2048
EPS = 1e-3  # Keras LayerNormalization default epsilon


def setup_inputs(seed: int = 0) -> dict:
    key = jax.random.key(seed)
    k1, k2, k3, k4, k5 = jax.random.split(key, 5)
    token = jax.random.randint(k1, (B, S), 0, VOCAB, dtype=jnp.int64 if jax.config.jax_enable_x64 else jnp.int32)
    segment = jax.random.randint(k2, (B, S), 0, 2, dtype=jnp.int64 if jax.config.jax_enable_x64 else jnp.int32)
    word_embeddings = jax.random.normal(k3, (VOCAB, HIDDEN), dtype=jnp.float32) * 0.02
    token_type_embeddings = jax.random.normal(k4, (2, HIDDEN), dtype=jnp.float32) * 0.02
    position_embeddings = jax.random.normal(k5, (MAX_POS, HIDDEN), dtype=jnp.float32) * 0.02
    ln_gamma = jnp.ones((HIDDEN,), dtype=jnp.float32)
    ln_beta = jnp.zeros((HIDDEN,), dtype=jnp.float32)
    return {
        'token': token,
        'segment': segment,
        'word_embeddings': word_embeddings,
        'token_type_embeddings': token_type_embeddings,
        'position_embeddings': position_embeddings,
        'ln_gamma': ln_gamma,
        'ln_beta': ln_beta,
    }


def reference(token, segment, word_embeddings, token_type_embeddings, position_embeddings, ln_gamma, ln_beta):
    # token embedding: gather rows from large table (SparseCore-friendly)
    token_embedding = jnp.take(word_embeddings, token, axis=0)          # [B, S, H]
    segment_embedding = jnp.take(token_type_embeddings, segment, axis=0)  # [B, S, H]
    seq_len = token.shape[1]
    position_ids = jnp.arange(seq_len)
    position_embedding = jnp.take(position_embeddings, position_ids, axis=0)  # [S, H]
    position_embedding = jnp.broadcast_to(position_embedding[None, :, :], token_embedding.shape)
    out = token_embedding + segment_embedding + position_embedding
    # dropout is identity in eval mode; then LayerNorm over last axis
    mean = jnp.mean(out, axis=-1, keepdims=True)
    var = jnp.var(out, axis=-1, keepdims=True)
    out = (out - mean) / jnp.sqrt(var + EPS)
    out = out * ln_gamma + ln_beta
    return out

if __name__ == "__main__":
    import jax
    _d = setup_inputs()
    print(jax.jit(kernel)(*tuple(_d.values())))

</pallas_src>

<mosaic_0001>
#map = affine_map<(d0, d1) -> (0)>
#map1 = affine_map<(d0, d1) -> (0, 0)>
module attributes {stable_mosaic.version = 14 : i64} {
  func.func @_gather_sc(%arg0: i32, %arg1: i32, %arg2: memref<8192xi32, #tpu.memory_space<hbm>>, %arg3: memref<100000x1024xf32, #tpu.memory_space<hbm>>, %arg4: memref<8192x1024xf32, #tpu.memory_space<hbm>>, %arg5: memref<256xi32, #tpu.memory_space<vmem>>, %arg6: memref<32x1024xf32, #tpu.memory_space<vmem>>, %arg7: memref<32x1024xf32, #tpu.memory_space<vmem>>, %arg8: memref<!tpu.dma_semaphore, #tpu.memory_space<semaphore_mem>>, %arg9: memref<!tpu.dma_semaphore, #tpu.memory_space<semaphore_mem>>, %arg10: memref<!tpu.dma_semaphore, #tpu.memory_space<semaphore_mem>>, %arg11: memref<!tpu.dma_semaphore, #tpu.memory_space<semaphore_mem>>) attributes {dimension_semantics = [#tpu.dimension_semantics<core_parallel>, #tpu.dimension_semantics<subcore_parallel>], iteration_bounds = array<i64: 2, 16>, scalar_prefetch = 0 : i64, scratch_operands = 7 : i64, tpu.core_type = #tpu.core_type<sc_vector_subcore>, window_params = [{transform_indices = #map}, {transform_indices = #map1}, {transform_indices = #map1}]} {
    %mul3A = arith.constant 2 : i32
    %mul3A_0 = arith.muli %arg1, %mul3A : i32
    %add3A = arith.addi %mul3A_0, %arg0 : i32
    %mul3A_1 = arith.constant 256 : i32
    %mul3A_2 = arith.muli %add3A, %mul3A_1 : i32
    "tpu.region"() ({
      %run_scoped3A = tpu.sem_alloc : memref<!tpu.dma_semaphore, #tpu.memory_space<semaphore_mem>>
      %dma_start3A_29 = tpu.memref_slice %arg2[%mul3A_2] : memref<8192xi32, #tpu.memory_space<hbm>> -> memref<256xi32, #tpu.memory_space<hbm>>
      %dma_start3A_30 = tpu.memref_slice %arg2[%mul3A_2] : memref<8192xi32, #tpu.memory_space<hbm>> -> memref<256xi32, #tpu.memory_space<hbm>>
      tpu.enqueue_dma source(%dma_start3A_30 : memref<256xi32, #tpu.memory_space<hbm>>) target(%arg5 : memref<256xi32, #tpu.memory_space<vmem>>) target_semaphore(%run_scoped3A : memref<!tpu.dma_semaphore, #tpu.memory_space<semaphore_mem>>)
      %dma_wait3A_31 = tpu.memref_slice %arg2[%mul3A_2] : memref<8192xi32, #tpu.memory_space<hbm>> -> memref<256xi32, #tpu.memory_space<hbm>>
      %dma_wait3A_32 = tpu.memref_slice %arg2[%mul3A_2] : memref<8192xi32, #tpu.memory_space<hbm>> -> memref<256xi32, #tpu.memory_space<hbm>>
      tpu.wait_dma2 semaphore(%run_scoped3A : memref<!tpu.dma_semaphore, #tpu.memory_space<semaphore_mem>>) src(%dma_wait3A_32 : memref<256xi32, #tpu.memory_space<hbm>>) dst(%arg5 : memref<256xi32, #tpu.memory_space<vmem>>)
      tpu.yield
    }) : () -> ()
    %scan3A = arith.constant 0 : i32
    %scan3A_3 = arith.constant 0 : i32
    %scan3A_4 = arith.constant 4 : i32
    %scan3A_5 = arith.addi %scan3A_3, %scan3A_4 : i32
    %scan3A_6 = arith.constant 1 : i32
    scf.for %scan3A_29 = %scan3A_3 to %scan3A_5 step %scan3A_6  : i32 {
      %mul3A_30 = arith.constant 2 : i32
      %mul3A_31 = arith.muli %scan3A_29, %mul3A_30 : i32
      %add3A_32 = arith.constant 0 : i32
      %add3A_33 = arith.addi %mul3A_31, %add3A_32 : i32
      %ge3A = arith.constant 2 : i32
      %ge3A_34 = arith.cmpi sge, %add3A_33, %ge3A : i32
      %convert_element_type3A = arith.extui %ge3A_34 : i1 to i32
      %cond3A = arith.constant 0 : i32
      %cond3A_35 = arith.cmpi ne, %convert_element_type3A, %cond3A : i32
      scf.if %cond3A_35 {
        %sub3A = arith.constant 2 : i32
        %sub3A_67 = arith.subi %add3A_33, %sub3A : i32
        %mul3A_68 = arith.constant 32 : i32
        %mul3A_69 = arith.muli %sub3A_67, %mul3A_68 : i32
        %add3A_70 = arith.addi %mul3A_2, %mul3A_69 : i32
        %dma_wait3A_71 = arith.constant 0 : i32
        %dma_wait3A_72 = tpu.memref_slice %arg4[%add3A_70, %dma_wait3A_71] : memref<8192x1024xf32, #tpu.memory_space<hbm>> -> memref<32x1024xf32, #tpu.memory_space<hbm>>
        %dma_wait3A_73 = arith.constant 0 : i32
        %dma_wait3A_74 = tpu.memref_slice %arg4[%add3A_70, %dma_wait3A_73] : memref<8192x1024xf32, #tpu.memory_space<hbm>> -> memref<32x1024xf32, #tpu.memory_space<hbm>>
        tpu.wait_dma2 semaphore(%arg10 : memref<!tpu.dma_semaphore, #tpu.memory_space<semaphore_mem>>) src(%arg6 : memref<32x1024xf32, #tpu.memory_space<vmem>>) dst(%dma_wait3A_74 : memref<32x1024xf32, #tpu.memory_space<hbm>>)
      } else {
      }
      %mul3A_36 = arith.constant 32 : i32
      %mul3A_37 = arith.muli %add3A_33, %mul3A_36 : i32
      %dma_start3A_38 = tpu.memref_slice %arg5[%mul3A_37] : memref<256xi32, #tpu.memory_space<vmem>> -> memref<32xi32, #tpu.memory_space<vmem>>
      %dma_start3A_39 = arith.constant 0 : i32
      %dma_start3A_40 = arith.constant 0 : i32
      %dma_start3A_41 = tpu.memref_slice %arg3[%dma_start3A_39, %dma_start3A_40] : memref<100000x1024xf32, #tpu.memory_space<hbm>> -> memref<100000x1024xf32, #tpu.memory_space<hbm>>
      tpu.enqueue_indirect_dma source(%dma_start3A_41 : memref<100000x1024xf32, #tpu.memory_space<hbm>>) target(%arg6 : memref<32x1024xf32, #tpu.memory_space<vmem>>) offsets(%dma_start3A_38 : memref<32xi32, #tpu.memory_space<vmem>>) semaphore(%arg8 : memref<!tpu.dma_semaphore, #tpu.memory_space<semaphore_mem>>)
      %ge3A_42 = arith.constant 1 : i32
      %ge3A_43 = arith.cmpi sge, %add3A_33, %ge3A_42 : i32
      %convert_element_type3A_44 = arith.extui %ge3A_43 : i1 to i32
      %cond3A_45 = arith.constant 0 : i32
      %cond3A_46 = arith.cmpi ne, %convert_element_type3A_44, %cond3A_45 : i32
      scf.if %cond3A_46 {
        %sub3A = arith.constant 1 : i32
        %sub3A_67 = arith.subi %add3A_33, %sub3A : i32
        %mul3A_68 = arith.constant 32 : i32
        %mul3A_69 = arith.muli %sub3A_67, %mul3A_68 : i32
        %dma_wait3A_70 = tpu.memref_slice %arg5[%mul3A_69] : memref<256xi32, #tpu.memory_space<vmem>> -> memref<32xi32, #tpu.memory_space<vmem>>
        %dma_wait3A_71 = arith.constant 0 : i32
        %dma_wait3A_72 = arith.constant 0 : i32
        %dma_wait3A_73 = tpu.memref_slice %arg3[%dma_wait3A_71, %dma_wait3A_72] : memref<100000x1024xf32, #tpu.memory_space<hbm>> -> memref<100000x1024xf32, #tpu.memory_space<hbm>>
        tpu.wait_indirect_dma semaphore(%arg9 : memref<!tpu.dma_semaphore, #tpu.memory_space<semaphore_mem>>) src(%dma_wait3A_73 : memref<100000x1024xf32, #tpu.memory_space<hbm>>) dst(%arg7 : memref<32x1024xf32, #tpu.memory_space<vmem>>)
        %sub3A_74 = arith.constant 1 : i32
        %sub3A_75 = arith.subi %add3A_33, %sub3A_74 : i32
        %mul3A_76 = arith.constant 32 : i32
        %mul3A_77 = arith.muli %sub3A_75, %mul3A_76 : i32
        %add3A_78 = arith.addi %mul3A_2, %mul3A_77 : i32
        %dma_start3A_79 = arith.constant 0 : i32
        %dma_start3A_80 = tpu.memref_slice %arg4[%add3A_78, %dma_start3A_79] : memref<8192x1024xf32, #tpu.memory_space<hbm>> -> memref<32x1024xf32, #tpu.memory_space<hbm>>
        %dma_start3A_81 = arith.constant 0 : i32
        %dma_start3A_82 = tpu.memref_slice %arg4[%add3A_78, %dma_start3A_81] : memref<8192x1024xf32, #tpu.memory_space<hbm>> -> memref<32x1024xf32, #tpu.memory_space<hbm>>
        tpu.enqueue_dma source(%arg7 : memref<32x1024xf32, #tpu.memory_space<vmem>>) target(%dma_start3A_82 : memref<32x1024xf32, #tpu.memory_space<hbm>>) target_semaphore(%arg11 : memref<!tpu.dma_semaphore, #tpu.memory_space<semaphore_mem>>)
      } else {
      }
      %mul3A_47 = arith.constant 2 : i32
      %mul3A_48 = arith.muli %scan3A_29, %mul3A_47 : i32
      %add3A_49 = arith.constant 1 : i32
      %add3A_50 = arith.addi %mul3A_48, %add3A_49 : i32
      %ge3A_51 = arith.constant 2 : i32
      %ge3A_52 = arith.cmpi sge, %add3A_50, %ge3A_51 : i32
      %convert_element_type3A_53 = arith.extui %ge3A_52 : i1 to i32
      %cond3A_54 = arith.constant 0 : i32
      %cond3A_55 = arith.cmpi ne, %convert_element_type3A_53, %cond3A_54 : i32
      scf.if %cond3A_55 {
        %sub3A = arith.constant 2 : i32
        %sub3A_67 = arith.subi %add3A_50, %sub3A : i32
        %mul3A_68 = arith.constant 32 : i32
        %mul3A_69 = arith.muli %sub3A_67, %mul3A_68 : i32
        %add3A_70 = arith.addi %mul3A_2, %mul3A_69 : i32
        %dma_wait3A_71 = arith.constant 0 : i32
        %dma_wait3A_72 = tpu.memref_slice %arg4[%add3A_70, %dma_wait3A_71] : memref<8192x1024xf32, #tpu.memory_space<hbm>> -> memref<32x1024xf32, #tpu.memory_space<hbm>>
        %dma_wait3A_73 = arith.constant 0 : i32
        %dma_wait3A_74 = tpu.memref_slice %arg4[%add3A_70, %dma_wait3A_73] : memref<8192x1024xf32, #tpu.memory_space<hbm>> -> memref<32x1024xf32, #tpu.memory_space<hbm>>
        tpu.wait_dma2 semaphore(%arg11 : memref<!tpu.dma_semaphore, #tpu.memory_space<semaphore_mem>>) src(%arg7 : memref<32x1024xf32, #tpu.memory_space<vmem>>) dst(%dma_wait3A_74 : memref<32x1024xf32, #tpu.memory_space<hbm>>)
      } else {
      }
      %mul3A_56 = arith.constant 32 : i32
      %mul3A_57 = arith.muli %add3A_50, %mul3A_56 : i32
      %dma_start3A_58 = tpu.memref_slice %arg5[%mul3A_57] : memref<256xi32, #tpu.memory_space<vmem>> -> memref<32xi32, #tpu.memory_space<vmem>>
      %dma_start3A_59 = arith.constant 0 : i32
      %dma_start3A_60 = arith.constant 0 : i32
      %dma_start3A_61 = tpu.memref_slice %arg3[%dma_start3A_59, %dma_start3A_60] : memref<100000x1024xf32, #tpu.memory_space<hbm>> -> memref<100000x1024xf32, #tpu.memory_space<hbm>>
      tpu.enqueue_indirect_dma source(%dma_start3A_61 : memref<100000x1024xf32, #tpu.memory_space<hbm>>) target(%arg7 : memref<32x1024xf32, #tpu.memory_space<vmem>>) offsets(%dma_start3A_58 : memref<32xi32, #tpu.memory_space<vmem>>) semaphore(%arg9 : memref<!tpu.dma_semaphore, #tpu.memory_space<semaphore_mem>>)
      %ge3A_62 = arith.constant 1 : i32
      %ge3A_63 = arith.cmpi sge, %add3A_50, %ge3A_62 : i32
      %convert_element_type3A_64 = arith.extui %ge3A_63 : i1 to i32
      %cond3A_65 = arith.constant 0 : i32
      %cond3A_66 = arith.cmpi ne, %convert_element_type3A_64, %cond3A_65 : i32
      scf.if %cond3A_66 {
        %sub3A = arith.constant 1 : i32
        %sub3A_67 = arith.subi %add3A_50, %sub3A : i32
        %mul3A_68 = arith.constant 32 : i32
        %mul3A_69 = arith.muli %sub3A_67, %mul3A_68 : i32
        %dma_wait3A_70 = tpu.memref_slice %arg5[%mul3A_69] : memref<256xi32, #tpu.memory_space<vmem>> -> memref<32xi32, #tpu.memory_space<vmem>>
        %dma_wait3A_71 = arith.constant 0 : i32
        %dma_wait3A_72 = arith.constant 0 : i32
        %dma_wait3A_73 = tpu.memref_slice %arg3[%dma_wait3A_71, %dma_wait3A_72] : memref<100000x1024xf32, #tpu.memory_space<hbm>> -> memref<100000x1024xf32, #tpu.memory_space<hbm>>
        tpu.wait_indirect_dma semaphore(%arg8 : memref<!tpu.dma_semaphore, #tpu.memory_space<semaphore_mem>>) src(%dma_wait3A_73 : memref<100000x1024xf32, #tpu.memory_space<hbm>>) dst(%arg6 : memref<32x1024xf32, #tpu.memory_space<vmem>>)
        %sub3A_74 = arith.constant 1 : i32
        %sub3A_75 = arith.subi %add3A_50, %sub3A_74 : i32
        %mul3A_76 = arith.constant 32 : i32
        %mul3A_77 = arith.muli %sub3A_75, %mul3A_76 : i32
        %add3A_78 = arith.addi %mul3A_2, %mul3A_77 : i32
        %dma_start3A_79 = arith.constant 0 : i32
        %dma_start3A_80 = tpu.memref_slice %arg4[%add3A_78, %dma_start3A_79] : memref<8192x1024xf32, #tpu.memory_space<hbm>> -> memref<32x1024xf32, #tpu.memory_space<hbm>>
        %dma_start3A_81 = arith.constant 0 : i32
        %dma_start3A_82 = tpu.memref_slice %arg4[%add3A_78, %dma_start3A_81] : memref<8192x1024xf32, #tpu.memory_space<hbm>> -> memref<32x1024xf32, #tpu.memory_space<hbm>>
        tpu.enqueue_dma source(%arg6 : memref<32x1024xf32, #tpu.memory_space<vmem>>) target(%dma_start3A_82 : memref<32x1024xf32, #tpu.memory_space<hbm>>) target_semaphore(%arg10 : memref<!tpu.dma_semaphore, #tpu.memory_space<semaphore_mem>>)
      } else {
      }
    }
    %scan3A_7 = arith.constant 4 : i32
    %dma_wait3A = arith.constant 224 : i32
    %dma_wait3A_8 = tpu.memref_slice %arg5[%dma_wait3A] : memref<256xi32, #tpu.memory_space<vmem>> -> memref<32xi32, #tpu.memory_space<vmem>>
    %dma_wait3A_9 = arith.constant 0 : i32
    %dma_wait3A_10 = arith.constant 0 : i32
    %dma_wait3A_11 = tpu.memref_slice %arg3[%dma_wait3A_9, %dma_wait3A_10] : memref<100000x1024xf32, #tpu.memory_space<hbm>> -> memref<100000x1024xf32, #tpu.memory_space<hbm>>
    tpu.wait_indirect_dma semaphore(%arg9 : memref<!tpu.dma_semaphore, #tpu.memory_space<semaphore_mem>>) src(%dma_wait3A_11 : memref<100000x1024xf32, #tpu.memory_space<hbm>>) dst(%arg7 : memref<32x1024xf32, #tpu.memory_space<vmem>>)
    %add3A_12 = arith.constant 224 : i32
    %add3A_13 = arith.addi %mul3A_2, %add3A_12 : i32
    %dma_start3A = arith.constant 0 : i32
    %dma_start3A_14 = tpu.memref_slice %arg4[%add3A_13, %dma_start3A] : memref<8192x1024xf32, #tpu.memory_space<hbm>> -> memref<32x1024xf32, #tpu.memory_space<hbm>>
    %dma_start3A_15 = arith.constant 0 : i32
    %dma_start3A_16 = tpu.memref_slice %arg4[%add3A_13, %dma_start3A_15] : memref<8192x1024xf32, #tpu.memory_space<hbm>> -> memref<32x1024xf32, #tpu.memory_space<hbm>>
    tpu.enqueue_dma source(%arg7 : memref<32x1024xf32, #tpu.memory_space<vmem>>) target(%dma_start3A_16 : memref<32x1024xf32, #tpu.memory_space<hbm>>) target_semaphore(%arg11 : memref<!tpu.dma_semaphore, #tpu.memory_space<semaphore_mem>>)
    %add3A_17 = arith.constant 192 : i32
    %add3A_18 = arith.addi %mul3A_2, %add3A_17 : i32
    %dma_wait3A_19 = arith.constant 0 : i32
    %dma_wait3A_20 = tpu.memref_slice %arg4[%add3A_18, %dma_wait3A_19] : memref<8192x1024xf32, #tpu.memory_space<hbm>> -> memref<32x1024xf32, #tpu.memory_space<hbm>>
    %dma_wait3A_21 = arith.constant 0 : i32
    %dma_wait3A_22 = tpu.memref_slice %arg4[%add3A_18, %dma_wait3A_21] : memref<8192x1024xf32, #tpu.memory_space<hbm>> -> memref<32x1024xf32, #tpu.memory_space<hbm>>
    tpu.wait_dma2 semaphore(%arg10 : memref<!tpu.dma_semaphore, #tpu.memory_space<semaphore_mem>>) src(%arg6 : memref<32x1024xf32, #tpu.memory_space<vmem>>) dst(%dma_wait3A_22 : memref<32x1024xf32, #tpu.memory_space<hbm>>)
    %add3A_23 = arith.constant 224 : i32
    %add3A_24 = arith.addi %mul3A_2, %add3A_23 : i32
    %dma_wait3A_25 = arith.constant 0 : i32
    %dma_wait3A_26 = tpu.memref_slice %arg4[%add3A_24, %dma_wait3A_25] : memref<8192x1024xf32, #tpu.memory_space<hbm>> -> memref<32x1024xf32, #tpu.memory_space<hbm>>
    %dma_wait3A_27 = arith.constant 0 : i32
    %dma_wait3A_28 = tpu.memref_slice %arg4[%add3A_24, %dma_wait3A_27] : memref<8192x1024xf32, #tpu.memory_space<hbm>> -> memref<32x1024xf32, #tpu.memory_space<hbm>>
    tpu.wait_dma2 semaphore(%arg11 : memref<!tpu.dma_semaphore, #tpu.memory_space<semaphore_mem>>) src(%arg7 : memref<32x1024xf32, #tpu.memory_space<vmem>>) dst(%dma_wait3A_28 : memref<32x1024xf32, #tpu.memory_space<hbm>>)
    return
  }
}

module attributes {stable_mosaic.version = 14 : i64} {
  func.func @_ln_body(%arg0: i32, %arg1: memref<256x1024xf32, #tpu.memory_space<vmem>>, %arg2: memref<256x1xf32, #tpu.memory_space<vmem>>, %arg3: memref<256x1024xf32, #tpu.memory_space<vmem>>, %arg4: memref<2x1024xf32, #tpu.memory_space<vmem>>, %arg5: memref<1x1024xf32, #tpu.memory_space<vmem>>, %arg6: memref<1x1024xf32, #tpu.memory_space<vmem>>, %arg7: memref<256x1024xf32, #tpu.memory_space<vmem>>) attributes {dimension_semantics = [#tpu.dimension_semantics<arbitrary>], iteration_bounds = array<i64: 32>, scalar_prefetch = 0 : i64, scratch_operands = 0 : i64, tpu.core_type = #tpu.core_type<tc>, window_params = [{transform_indices = @transform_0, window_bounds = array<i64: 256, 1024>}, {transform_indices = @transform_1, window_bounds = array<i64: 256, 1>}, {transform_indices = @transform_2, window_bounds = array<i64: 256, 1024>}, {pipeline_mode = #tpu.pipeline_mode<synchronous>, transform_indices = @transform_3, window_bounds = array<i64: 2, 1024>}, {pipeline_mode = #tpu.pipeline_mode<synchronous>, transform_indices = @transform_4, window_bounds = array<i64: 1, 1024>}, {pipeline_mode = #tpu.pipeline_mode<synchronous>, transform_indices = @transform_5, window_bounds = array<i64: 1, 1024>}, {transform_indices = @transform_6, window_bounds = array<i64: 256, 1024>}]} {
    %get3A = arith.constant 0 : index
    %get3A_0 = arith.constant 0 : index
    %get3A_1 = vector.load %arg1[%get3A, %get3A_0] : memref<256x1024xf32, #tpu.memory_space<vmem>>, vector<256x1024xf32>
    %get3A_2 = arith.constant 0 : index
    %get3A_3 = arith.constant 0 : index
    %get3A_4 = vector.load %arg2[%get3A_2, %get3A_3] : memref<256x1xf32, #tpu.memory_space<vmem>>, vector<256x1xf32>
    %get3A_5 = arith.constant 0 : index
    %get3A_6 = arith.constant 0 : index
    %get3A_7 = vector.load %arg4[%get3A_5, %get3A_6] : memref<2x1024xf32, #tpu.memory_space<vmem>>, vector<1x1024xf32>
    %get3A_8 = arith.constant 1 : index
    %get3A_9 = arith.constant 0 : index
    %get3A_10 = vector.load %arg4[%get3A_8, %get3A_9] : memref<2x1024xf32, #tpu.memory_space<vmem>>, vector<1x1024xf32>
    %sub3A = arith.subf %get3A_10, %get3A_7 : vector<1x1024xf32>
    %get3A_11 = arith.constant 0 : index
    %get3A_12 = arith.constant 0 : index
    %get3A_13 = vector.load %arg3[%get3A_11, %get3A_12] : memref<256x1024xf32, #tpu.memory_space<vmem>>, vector<256x1024xf32>
    %add3A = arith.addf %get3A_1, %get3A_13 : vector<256x1024xf32>
    %add3A_14 = vector.broadcast %get3A_7 : vector<1x1024xf32> to vector<256x1024xf32>
    %add3A_15 = arith.addf %add3A, %add3A_14 : vector<256x1024xf32>
    %mul3A = vector.broadcast %get3A_4 : vector<256x1xf32> to vector<256x1024xf32>
    %mul3A_16 = vector.broadcast %sub3A : vector<1x1024xf32> to vector<256x1024xf32>
    %mul3A_17 = arith.mulf %mul3A, %mul3A_16 : vector<256x1024xf32>
    %add3A_18 = arith.addf %add3A_15, %mul3A_17 : vector<256x1024xf32>
    %reduce_sum3A = arith.constant dense<0.000000e+00> : vector<256xf32>
    %reduce_sum3A_19 = vector.multi_reduction <add>, %add3A_18, %reduce_sum3A [1] : vector<256x1024xf32> to vector<256xf32>
    %broadcast_in_dim3A = vector.shape_cast %reduce_sum3A_19 : vector<256xf32> to vector<256x1xf32>
    %div3A = arith.constant 1.024000e+03 : f32
    %div3A_20 = vector.broadcast %div3A : f32 to vector<256x1xf32>
    %div3A_21 = arith.divf %broadcast_in_dim3A, %div3A_20 : vector<256x1xf32>
    %mul3A_22 = arith.mulf %add3A_18, %add3A_18 : vector<256x1024xf32>
    %reduce_sum3A_23 = arith.constant dense<0.000000e+00> : vector<256xf32>
    %reduce_sum3A_24 = vector.multi_reduction <add>, %mul3A_22, %reduce_sum3A_23 [1] : vector<256x1024xf32> to vector<256xf32>
    %broadcast_in_dim3A_25 = vector.shape_cast %reduce_sum3A_24 : vector<256xf32> to vector<256x1xf32>
    %div3A_26 = arith.constant 1.024000e+03 : f32
    %div3A_27 = vector.broadcast %div3A_26 : f32 to vector<256x1xf32>
    %div3A_28 = arith.divf %broadcast_in_dim3A_25, %div3A_27 : vector<256x1xf32>
    %mul3A_29 = arith.mulf %div3A_21, %div3A_21 : vector<256x1xf32>
    %sub3A_30 = arith.subf %div3A_28, %mul3A_29 : vector<256x1xf32>
    %sub3A_31 = vector.broadcast %div3A_21 : vector<256x1xf32> to vector<256x1024xf32>
    %sub3A_32 = arith.subf %add3A_18, %sub3A_31 : vector<256x1024xf32>
    %add3A_33 = arith.constant 1.000000e-03 : f32
    %add3A_34 = vector.broadcast %add3A_33 : f32 to vector<256x1xf32>
    %add3A_35 = arith.addf %sub3A_30, %add3A_34 : vector<256x1xf32>
    %rsqrt3A = math.rsqrt %add3A_35 : vector<256x1xf32>
    %mul3A_36 = vector.broadcast %rsqrt3A : vector<256x1xf32> to vector<256x1024xf32>
    %mul3A_37 = arith.mulf %sub3A_32, %mul3A_36 : vector<256x1024xf32>
    %get3A_38 = arith.constant 0 : index
    %get3A_39 = arith.constant 0 : index
    %get3A_40 = vector.load %arg5[%get3A_38, %get3A_39] : memref<1x1024xf32, #tpu.memory_space<vmem>>, vector<1x1024xf32>
    %mul3A_41 = vector.broadcast %get3A_40 : vector<1x1024xf32> to vector<256x1024xf32>
    %mul3A_42 = arith.mulf %mul3A_37, %mul3A_41 : vector<256x1024xf32>
    %get3A_43 = arith.constant 0 : index
    %get3A_44 = arith.constant 0 : index
    %get3A_45 = vector.load %arg6[%get3A_43, %get3A_44] : memref<1x1024xf32, #tpu.memory_space<vmem>>, vector<1x1024xf32>
    %add3A_46 = vector.broadcast %get3A_45 : vector<1x1024xf32> to vector<256x1024xf32>
    %add3A_47 = arith.addf %mul3A_42, %add3A_46 : vector<256x1024xf32>
    %swap3A = arith.constant 0 : index
    %swap3A_48 = arith.constant 0 : index
    %swap3A_49 = vector.load %arg7[%swap3A, %swap3A_48] : memref<256x1024xf32, #tpu.memory_space<vmem>>, vector<256x1024xf32>
    tpu.vector_store %arg7[%swap3A, %swap3A_48], %add3A_47 {strides = array<i32>} : memref<256x1024xf32, #tpu.memory_space<vmem>>, vector<256x1024xf32>,
    return
  }
  func.func @transform_0(%arg0: i32) -> (i32, i32) {
    %c0_i32 = arith.constant 0 : i32
    %c0_i32_0 = arith.constant 0 : i32
    return %arg0, %c0_i32 : i32, i32
  }
  func.func @transform_1(%arg0: i32) -> (i32, i32) {
    %c0_i32 = arith.constant 0 : i32
    %c0_i32_0 = arith.constant 0 : i32
    return %arg0, %c0_i32 : i32, i32
  }
  func.func @transform_2(%arg0: i32) -> (i32, i32) {
    %jit3A = arith.constant 8 : i32
    %eq3A = arith.constant 0 : i32
    %eq3A_0 = arith.cmpi eq, %jit3A, %eq3A : i32
    %jit3A_1 = arith.constant 1 : i32
    %select_n3A = arith.select %eq3A_0, %jit3A_1, %jit3A : i32
    %rem3A = arith.remsi %arg0, %select_n3A : i32
    %ne3A = arith.constant 0 : i32
    %ne3A_2 = arith.cmpi ne, %rem3A, %ne3A : i32
    %lt3A = arith.constant 0 : i32
    %lt3A_3 = arith.cmpi slt, %rem3A, %lt3A : i32
    %lt3A_4 = arith.constant 0 : i32
    %lt3A_5 = arith.cmpi slt, %select_n3A, %lt3A_4 : i32
    %ne3A_6 = arith.xori %lt3A_3, %lt3A_5 : i1
    %and3A = arith.andi %ne3A_6, %ne3A_2 : i1
    %add3A = arith.addi %rem3A, %select_n3A : i32
    %select_n3A_7 = arith.select %and3A, %add3A, %rem3A : i32
    %c0_i32 = arith.constant 0 : i32
    %c0_i32_8 = arith.constant 0 : i32
    return %select_n3A_7, %c0_i32 : i32, i32
  }
  func.func @transform_3(%arg0: i32) -> (i32, i32) {
    %c0_i32 = arith.constant 0 : i32
    %c0_i32_0 = arith.constant 0 : i32
    %c0_i32_1 = arith.constant 0 : i32
    return %c0_i32, %c0_i32_0 : i32, i32
  }
  func.func @transform_4(%arg0: i32) -> (i32, i32) {
    %c0_i32 = arith.constant 0 : i32
    %c0_i32_0 = arith.constant 0 : i32
    %c0_i32_1 = arith.constant 0 : i32
    return %c0_i32, %c0_i32_0 : i32, i32
  }
  func.func @transform_5(%arg0: i32) -> (i32, i32) {
    %c0_i32 = arith.constant 0 : i32
    %c0_i32_0 = arith.constant 0 : i32
    %c0_i32_1 = arith.constant 0 : i32
    return %c0_i32, %c0_i32_0 : i32, i32
  }
  func.func @transform_6(%arg0: i32) -> (i32, i32) {
    %c0_i32 = arith.constant 0 : i32
    %c0_i32_0 = arith.constant 0 : i32
    return %arg0, %c0_i32 : i32, i32
  }
}

</mosaic_0001>

<sc_bundles>
// kernel: kernel.4.cloned.1.call-start
scs
__scs_entry_jumppad:
0x0: {  	(pc) =	sbr.rel $0x88, $3  }
0x1: {  	(tag) =	ssettag $0x0;
	lr =	simm.s32 $0x1  }
0x2: {  	[smem:$0x3F9A] =	sst lr;
	_ =	strace $0xD0000000  }
0x3: {  	_ = 	snop  }
0x4: {  	_ = 	snop  }
0x5: {  	_ = 	snop  }
0x6: {  	_ = 	snop  }
0x7: {  	_ = 	snop  }
__scs_overlays_trampoline_lowered:
0x8: {  	[smem:$0x3FA9] =	sst s0  }
0x9: {  	[smem:$0x3FAA] =	sst s1  }
0xa: {  	[smem:$0x3FAB] =	sst s2  }
0xb: {  	[smem:$0x3FAC] =	sst s3  }
0xc: {  	[smem:$0x3FAD] =	sst s4  }
0xd: {  	[smem:$0x3FAE] =	sst s5  }
0xe: {  	[smem:$0x3FAF] =	sst s6  }
0xf: {  	[smem:$0x3FB0] =	sst s7  }
0x10: {  	[smem:$0x3FB1] =	sst s8  }
0x11: {  	[smem:$0x3FB2] =	sst s9;
	s0 =	simm.s32 @!p0 $0x0  }
0x12: {  	s1 =	sld [smem:$0x3F98];
	s0 =	simm.s32 @p0 $0x1  }
0x13: {  	[smem:$0x3FB3] =	sst s0;
	s0 =	simm.s32 @!p1 $0x0  }
0x14: {  	s2 =	sld [smem:$0x3F97];
	s0 =	simm.s32 @p1 $0x1  }
0x15: {  	[smem:$0x3FB4] =	sst s0;
	s0 =	simm.s32 @!p2 $0x0  }
0x16: {  	s3 =	sld [smem:$0x3FDB];
	s0 =	simm.s32 @p2 $0x1  }
0x17: {  	s4 =	simm.s32 $0x1BF5;
	[smem:$0x3FB6] =	sst s0  }
0x18: {  	s0 =	sld [smem:$0x3F99];
	_ =	swait.ge [sflag:s4], $0x0  }
0x19: {  	s7 =	sld [smem:$0x3F9A]  }
0x1a: {  	s8 =	sadd.s32 $0xFFFFE003, lr  }
0x1b: {  	s9 =	sadd.s32 $0xFFFFFEF7, lr;
	s5 =	simm.s32 $0xFFFFFFFF;
	p2 =	slt.u32 s8, $0xFFFFF086  }
0x1c: {  	p1 =	slt.u32 s9, $0xF7A;
	s5 =	simm.s32 @!p2 $0x0  }
0x1d: {  	s5 =	simm.s32 @p1 $0x1;
	p0 =	seq.s32 s7, s2  }
0x1e: {  	s7 =	smul.u32 @!p0 $0xF7A, s2;
	p2 =	seq.s32 @!p0 s5, $0x0  }
0x1f: {  	s9 =	smul.u32 $0xF7A, s1;
	s8 =	simm.s32 @!p0 $0x1BF5;
	p2 =	por !p2, p0  }
0x20: {  	[sflag:s8] =	ssyncset.s32 @!p0 $0xFFFFF086;
	s6 =	sadd.s32 @!p0 s3, s7;
	s7 =	simm.s32 @!p0 $0x108  }
0x21: {  	s3 =	sadd.s32 s3, s9;
	s6 =	sadd.s32 @!p0 $0x88, s6;
	s7 =	simm.s32 @p2 $0x1082  }
0x22: {  	[simem:s7], [sflag:s8] =	dma.local @!p0 [hbm:s6], $0xF7A  }
0x23: {  	s9 =	sor.u32 $0xD0000000, s2;
	s6 =	simm.s32 $0x108;
	_ =	swait.ge @!p0 [sflag:s8], $0x0  }
0x24: {  	s3 =	sadd.s32 $0x88, s3;
	s6 =	simm.s32 @!p1 $0x1082;
	[sflag:s4] =	ssyncset.s32 $0xFFFFF086  }
0x25: {  	[simem:s6], [sflag:s4] =	dma.local [hbm:s3], $0xF7A  }
0x26: {  	[smem:$0x3F9A] =	sst s1;
	(tag) =	ssettag s2;
	_ =	strace s9  }
0x27: {  	s1 =	sld [smem:$0x3FAA]  }
0x28: {  	s2 =	sld [smem:$0x3FAB]  }
0x29: {  	s4 =	sld [smem:$0x3FAD]  }
0x2a: {  	p0 =	seq.s32 s5, $0x0;
	s5 =	sld [smem:$0x3FAE]  }
0x2b: {  	s6 =	sld [smem:$0x3FAF]  }
0x2c: {  	s7 =	sld [smem:$0x3FB0]  }
0x2d: {  	s3 =	simm.s32 $0x108;
	s8 =	sld [smem:$0x3FB1]  }
0x2e: {  	s3 =	simm.s32 @!p0 $0x1082;
	s9 =	sld [smem:$0x3FB2]  }
0x2f: {  	lr =	sadd.s32 s0, s3;
	s0 =	sld [smem:$0x3FA9]  }
0x30: {  	s3 =	sld [smem:$0x3FAC]  }
0x31: {  	[smem:$0x3FB5] =	sst s10  }
0x32: {  	s10 =	sld [smem:$0x3FB3];
	_ =	sdelay $0x3  }
0x33: {  	p0 =	seq.s32 s10, $0x1;
	s10 =	sld [smem:$0x3FB5];
	_ =	sdelay $0x3  }
0x34: {  	[smem:$0x3FB5] =	sst s10  }
0x35: {  	s10 =	sld [smem:$0x3FB4];
	_ =	sdelay $0x3  }
0x36: {  	p1 =	seq.s32 s10, $0x1;
	s10 =	sld [smem:$0x3FB5];
	_ =	sdelay $0x3  }
0x37: {  	[smem:$0x3FB5] =	sst s10  }
0x38: {  	s10 =	sld [smem:$0x3FB6]  }
0x39: {  	_ = 	snop;
	(pc) =	sbr.ind lr, $3  }
0x3a: {  	_ = 	snop  }
0x3b: {  	_ = 	snop  }
0x3c: {  	p2 =	seq.s32 s10, $0x1;
	s10 =	sld [smem:$0x3FB5]  }
0x3d: {  	_ =	shalt  }
0x3e: {  	_ =	shalt  }
0x3f: {  	_ =	shalt  }
0x40: {  	_ =	shalt  }
0x41: {  	_ =	shalt  }
0x42: {  	_ =	shalt  }
0x43: {  	_ =	shalt  }
0x44: {  	_ =	shalt  }
0x45: {  	_ =	shalt  }
0x46: {  	_ =	shalt  }
0x47: {  	_ =	shalt  }
0x48: {  	_ =	shalt  }
0x49: {  	_ =	shalt  }
0x4a: {  	_ =	shalt  }
0x4b: {  	_ =	shalt  }
0x4c: {  	_ =	shalt  }
0x4d: {  	_ =	shalt  }
0x4e: {  	_ =	shalt  }
0x4f: {  	_ =	shalt  }
0x50: {  	_ =	shalt  }
0x51: {  	_ =	shalt  }
0x52: {  	_ =	shalt  }
0x53: {  	_ =	shalt  }
0x54: {  	_ =	shalt  }
0x55: {  	_ =	shalt  }
0x56: {  	_ =	shalt  }
0x57: {  	_ =	shalt  }
0x58: {  	_ =	shalt  }
0x59: {  	_ =	shalt  }
0x5a: {  	_ =	shalt  }
0x5b: {  	_ =	shalt  }
0x5c: {  	_ =	shalt  }
0x5d: {  	_ =	shalt  }
0x5e: {  	_ =	shalt  }
0x5f: {  	_ =	shalt  }
0x60: {  	_ =	shalt  }
0x61: {  	_ =	shalt  }
0x62: {  	_ =	shalt  }
0x63: {  	_ =	shalt  }
0x64: {  	_ =	shalt  }
0x65: {  	_ =	shalt  }
0x66: {  	_ =	shalt  }
0x67: {  	_ =	shalt  }
0x68: {  	_ =	shalt  }
0x69: {  	_ =	shalt  }
0x6a: {  	_ =	shalt  }
0x6b: {  	_ =	shalt  }
0x6c: {  	_ =	shalt  }
0x6d: {  	_ =	shalt  }
0x6e: {  	_ =	shalt  }
0x6f: {  	_ =	shalt  }
0x70: {  	_ =	shalt  }
0x71: {  	_ =	shalt  }
0x72: {  	_ =	shalt  }
0x73: {  	_ =	shalt  }
0x74: {  	_ =	shalt  }
0x75: {  	_ =	shalt  }
0x76: {  	_ =	shalt  }
0x77: {  	_ =	shalt  }
0x78: {  	_ =	shalt  }
0x79: {  	_ =	shalt  }
0x7a: {  	_ =	shalt  }
0x7b: {  	_ =	shalt  }
0x7c: {  	_ =	shalt  }
0x7d: {  	_ =	shalt  }
0x7e: {  	_ =	shalt  }
0x7f: {  	_ =	shalt  }
0x80: {  	_ =	shalt  }
0x81: {  	_ =	shalt  }
0x82: {  	_ =	shalt  }
0x83: {  	_ =	shalt  }
0x84: {  	_ =	shalt  }
0x85: {  	_ =	shalt  }
0x86: {  	_ =	shalt  }
0x87: {  	_ =	shalt  }
.Lfunc_end0:
.L_simem_size_0:
called_computation_lowered:
.L_overlay_start_0:
0x88: {  	s2 =	sld [smem:$0x3FD9]  }
0x89: {  	s3 =	sld [smem:$0x3FFE];
	_ =	sdelay $0x1  }
0x8a: {  	s1 =	srdreg.scid  }
0x8b: {  	s0 =	sand.u32 $0x1, s1  }
0x8c: {  	s17 =	sshll.u32 s0, $0xA;
	s2 =	sadd.s32 s3, s2  }
0x8d: {  	s2 =	sadd.s32 s2, s17  }
0x8e: {  	[smem:$0x3FC1] =	sst s2  }
0x8f: {  	_ = 	snop  }
0x90: {  	s2 =	sld [smem:$0x3FC7]  }
0x91: {  	s18 =	sld [smem:$0x3FD0];
	(tm) =	ssettm $0x1  }
0x92: {  	s4 =	sld [smem:$0x3FFB];
	_ =	sdelay $0x3  }
0x93: {  	_ =	strace s4  }
0x94: {  	s4 =	sld [smem:$0x3FFC];
	_ =	sdelay $0x3  }
0x95: {  	_ =	strace s4  }
0x96: {  	s4 =	sld [smem:$0x3FFD];
	_ =	sdelay $0x3  }
0x97: {  	_ =	strace s4  }
0x98: {  	_ =	strace $0x8FFFFFFF  }
0x99: {  	s19 =	sld [smem:$0x3FDB];
	_ =	sdelay $0x1  }
0x9a: {  	s5 =	simm.s32 $_scs_section_size  }
0x9b: {  	s6 =	simm.s32 $_size__tile_overlayer_lowered;
	s7 =	simm.s32 $_tile_overlayer_lowered  }
0x9c: {  	s22 =	simm.s32 $0x1BFF;
	s21 =	sshll.u32 s7, $0x1;
	s4 =	sadd.s32 s5, s19  }
0x9d: {  	s8 =	simm.s32 $0x0;
	s20 =	sshll.u32 s6, $0x1;
	s6 =	sadd.s32 s21, s4  }
0x9e: {  	[timem:s8], [sflag:s22] =	dma.local [hbm:s6], s20  }
0x9f: {  	_ =	swait.ge [sflag:s22], s20  }
0xa0: {  	s5 =	ssub.s32 $0x0, s20;
	[sflag:s22] =	ssyncset.done $0x0  }
0xa1: {  	[sflag:s22] =	ssyncadd.s32 s5;
	_ =	sdelay $0x1  }
0xa2: {  	s23 =	simm.s32 $0x1B8B  }
0xa3: {  	_ =	swait.ge [sflag:s23], $0x1  }
0xa4: {  	[sflag:s23] =	ssyncset.done $0x0  }
0xa5: {  	s25 =	simm.s32 $0x1B8E;
	s24 =	sld [smem:$0x3FFE];
	[sflag:s23] =	ssyncadd.s32 $0xFFFFFFFF  }
0xa6: {  	s26 =	simm.s32 $execute0_lowered;
	[smem:$0x3FD2] =	sst s25  }
0xa7: {  	s6 =	sshll.u32 s26, $0x1;
	_ =	strace $0x80000046;
	[dreg:$0x1] =	wrdreg $0xFFFFFFFF  }
0xa8: {  	s28 =	simm.s32 $_size_execute0_lowered;
	s4 =	sadd.s32 s4, s6;
	[dreg:$0x0] =	wrdreg $0x0  }
0xa9: {  	s6 =	sshll.u32 s28, $0x1;
	[dreg:$0x2] =	wrdreg s4  }
0xaa: {  	[dreg:$0x3] =	wrdreg s6  }
0xab: {  	[dreg:$0x4] =	wrdreg $0xC0  }
0xac: {  	_ =	task [dreg:s8], $0x5FFFF  }
0xad: {  	[dreg:$0x1] =	wrdreg $0xFFFFFFFF  }
0xae: {  	[dreg:$0x0] =	wrdreg $0x60  }
0xaf: {  	[dreg:$0x2] =	wrdreg s18  }
0xb0: {  	[dreg:$0x3] =	wrdreg s2  }
0xb1: {  	[dreg:$0x4] =	wrdreg s24  }
0xb2: {  	[dreg:$0x5] =	wrdreg $0x9  }
0xb3: {  	_ =	task.clear_ibuf [dreg:s8], $0x6FFFF;
	_ =	strace $0x90000046  }
0xb4: {  	s29 =	simm.s32 $0x9;
	_ =	strace $0x80000048  }
0xb5: {  	_ =	swait.ge [sflag:s29], $0x1  }
0xb6: {  	[sflag:s29] =	ssyncadd.s32 $0xFFFFFFFF  }
0xb7: {  	_ =	strace $0x90000048  }
0xb8: {  	_ =	sfence  }
0xb9: {  	s30 =	sld [smem:$0x0];
	_ =	sdelay $0x2  }
0xba: {  	s31 =	sshll.u32 s1, $0xD;
	s1 =	sshrl.u32 s1, $0x2  }
0xbb: {  	s3 =	sand.u32 $0x4000, s31;
	s1 =	sadd.s32 s1, s30  }
0xbc: {  	s0 =	sor.u32 s3, s0;
	s1 =	sshll.u32 s1, $0x11  }
0xbd: {  	s0 =	sor.u32 s1, s0  }
0xbe: {  	s0 =	sadd.s32 $0x8F2B, s0  }
0xbf: {  	[sflag:s0] =	ssyncadd.remote.s32 $0x1  }
0xc0: {  	_ =	sfence.sel $0xFFFF  }
0xc1: {  	[dreg:$0x0] =	wrdreg $0xFFFFFFFF;
	(pc) =	sbr.abs _section_cstart, $3  }
0xc2: {  	[dreg:$0x1] =	wrdreg $0xFFFFFFFF  }
0xc3: {  	_ =	task.clear_ibuf [dreg:s8], $0x2FFFF;
	_ =	strace $0x9FFFFFFF  }
0xc4: {  	(tm) =	ssettm $0x7FFFFFFF  }
0xc5: {  	_ =	shalt  }
tec
execute0_lowered:
.L_overlay_start_1:
0x0: {  	(tag) =	ssettag $0x1  }
0x1: {  	s0 =	rddreg [dreg:$0x0]  }
0x2: {  	s1 =	rddreg [dreg:$0x1]  }
0x3: {  	s3 =	rddreg [dreg:$0x2];
	s2 =	simm.s32 $0x0  }
0x4: {  	s24 =	simm.s32 $0x900;
	[smem:$0x7FF] =	sst s2  }
0x5: {  	s26 =	simm.s32 $0x1100;
	_ =	strace $0x80000047;
	[dreg:$0x4] =	wrdreg s24  }
0x6: {  	s31 =	simm.s32 $0x1900;
	[dreg:$0x5] =	wrdreg s26  }
0x7: {  	s7 =	simm.s32 $0x2100;
	[dreg:$0x6] =	wrdreg s31  }
0x8: {  	s4 =	srdreg.scid;
	s12 =	simm.s32 $0x2900;
	[dreg:$0x7] =	wrdreg s7  }
0x9: {  	s23 =	stileid.u32;
	s13 =	simm.s32 $0x3100;
	[dreg:$0x8] =	wrdreg s12  }
0xa: {  	s14 =	simm.s32 $0x3900;
	s15 =	simm.s32 $0x4100;
	[dreg:$0x9] =	wrdreg s13  }
0xb: {  	s16 =	simm.s32 $0x4900;
	s17 =	simm.s32 $0x5100;
	[dreg:$0xa] =	wrdreg s14  }
0xc: {  	s18 =	simm.s32 $0x5900;
	s20 =	simm.s32 $0x6100;
	[dreg:$0xb] =	wrdreg s15  }
0xd: {  	s21 =	simm.s32 $0x6900;
	s22 =	simm.s32 $0x7100;
	[dreg:$0xc] =	wrdreg s16  }
0xe: {  	s28 =	simm.s32 $0x3;
	s29 =	simm.s32 $0x4;
	[dreg:$0xd] =	wrdreg s17  }
0xf: {  	s30 =	simm.s32 $0x0;
	s10 =	sand.u32 $0x1, s4;
	[dreg:$0xe] =	wrdreg s18  }
0x10: {  	s11 =	sadd.s32 $0xE00, s3;
	s25 =	sshll.u32 s23, $0x9;
	[dreg:$0xf] =	wrdreg s20  }
0x11: {  	s4 =	ssub.s32 $0x2, s10;
	s6 =	sshll.u32 s10, $0x8;
	[dreg:$0x10] =	wrdreg s21  }
0x12: {  	s7 =	sadd.s32 $0x300, s1;
	s12 =	sshll.u32 s23, $0x10;
	[dreg:$0x11] =	wrdreg s22  }
0x13: {  	s23 =	simm.s32 $0x7900;
	s10 =	sshll.u32 s10, $0xF;
	s24 =	simm.s32 $0x8900  }
0x14: {  	s26 =	simm.s32 $0x9900;
	s31 =	simm.s32 $0xA100;
	s13 =	simm.s32 $0x8100  }
0x15: {  	s14 =	simm.s32 $0xA900;
	s15 =	simm.s32 $0xB100;
	s16 =	simm.s32 $0xB900  }
0x16: {  	s17 =	simm.s32 $0xC100;
	s18 =	simm.s32 $0xC900;
	s20 =	simm.s32 $0xD900  }
0x17: {  	s21 =	simm.s32 $0xE100;
	s22 =	simm.s32 $0xE900;
	[dreg:$0x12] =	wrdreg s23  }
0x18: {  	s5 =	sshrl.u32 s4, $0x1;
	s8 =	sor.u32 s6, s25;
	[dreg:$0x13] =	wrdreg s24  }
0x19: {  	s6 =	sadd.s32 $0x200, s1;
	s25 =	simm.s32 $0x9100;
	[dreg:$0x15] =	wrdreg s26  }
0x1a: {  	[dreg:$0x16] =	wrdreg s31;
	s23 =	simm.s32 $0xF100;
	s24 =	simm.s32 $0xF900  }
0x1b: {  	s26 =	simm.s32 $0x2;
	s9 =	ssub.s32 s4, s5;
	s5 =	sshrl.u32 s8, $0x3  }
0x1c: {  	s8 =	sshll.u32 s8, $0x7;
	[dreg:$0x14] =	wrdreg s25;
	s25 =	simm.s32 $0x1  }
0x1d: {  	s0 =	sadd.s32 s0, s5;
	s5 =	sadd.s32 $0x100, s1;
	s8 =	sadd.s32 s8, s11  }
0x1e: {  	v2 =	vlaneseq.u32;
	s9 =	smax.u32 s9, $0x1;
	s11 =	sadd.s32 s12, s11;
	s12 =	simm.s32 $0x100  }
0x1f: {  	vm0 =	vmmov $0xffff;
	v1 =	vshrl.u32 v2, $0x3;
	[dreg:$0x17] =	wrdreg s0;
	s19 =	sadd.s32 $0x7000, s8;
	s10 =	sadd.s32 s10, s11  }
0x20: {  	v0 =	vand.u32 $0x7, v2;
	v2 =	vor.u32 $0x8, v2;
	v1 =	vmul.u32 $0x8, v1;
	s11 =	simm.s32 $0x5;
	[dreg:$0x18] =	wrdreg s19;
	s19 =	simm.s32 $0xD100  }
.LBB2_1:
0x21: {  	s0 =	rddreg [dreg:$0x17]  }
0x22: {  	[tilespmem:s2], [sflag:$0x5] =	stream.linear.gather [hbm4b:s0+s2], $0x100, $0x38;
	[tilespmem:$0x10100] =	vst v63  }
0x23: {  	_ =	swait.ge [sflag:s11], $0x100  }
0x24: {  	[sflag:s11] =	ssyncset.done $0x0  }
0x25: {  	s31 =	simm.s32 $0x20;
	s0 =	simm.s32 $0x0;
	[sflag:s11] =	ssyncadd.s32 $0xFFFFFF00  }
.LBB2_2:
0x26: {  	p0 =	seq.s32 s0, $0x0  }
0x27: {  	s3 =	simm.s32 @!p0 $0x3  }
0x28: {  	_ =	swait.ge @!p0 [sflag:s3], $0x8000  }
0x29: {  	[sflag:s3] =	ssyncset.done @!p0 $0x0  }
0x2a: {  	[sflag:s3] =	ssyncadd.s32 @!p0 $0xFFFF8000  }
0x2b: {  	v3 =	vld [tilespmem:s31+$0xFFFFFFE0];
	_ =	sdelay $0x4  }
0x2c: {  	v4 =	vshll.u32 v3, $0x3  }
0x2d: {  	v3 =	vand.u32 $0x7, v3;
	v4 =	vand.u32 $0xFFFFFFC0, v4  }
0x2e: {  	v3 =	vor.u32 v3, v4  }
0x2f: {  	v4 =	vperm.xlane v3, v0;
	_ =	sdelay $0x1  }
0x30: {  	v4 =	vadd.s32 v1, v4;
	_ =	sdelay $0x4  }
0x31: {  	[tilespmem:s12], [sflag:$0x1] =	stream.indirect_vreg.gather [hbm4b:s1+s2], $0x80, v4, vm0, $0xb8;
	[tilespmem:$0x10100] =	vst v63  }
0x32: {  	s8 =	rddreg [dreg:$0x4];
	v3 =	vperm.xlane v3, v2  }
0x33: {  	[tilespmem:s8], [sflag:$0x1] =	stream.indirect_vreg.gather [hbm4b:s5+s2], $0x80, v4, vm0, $0xb8;
	[tilespmem:$0x10100] =	vst v63  }
0x34: {  	s4 =	rddreg [dreg:$0x5];
	v3 =	vadd.s32 v1, v3  }
0x35: {  	[tilespmem:s4], [sflag:$0x1] =	stream.indirect_vreg.gather [hbm4b:s6+s2], $0x80, v4, vm0, $0xb8;
	[tilespmem:$0x10100] =	vst v63  }
0x36: {  	s8 =	rddreg [dreg:$0x6]  }
0x37: {  	[tilespmem:s8], [sflag:$0x1] =	stream.indirect_vreg.gather [hbm4b:s7+s2], $0x80, v4, vm0, $0xb8;
	[tilespmem:$0x10100] =	vst v63  }
0x38: {  	s4 =	rddreg [dreg:$0x7]  }
0x39: {  	[tilespmem:s4], [sflag:$0x1] =	stream.indirect_vreg.gather [hbm4b:s1+s2], $0x80, v3, vm0, $0xb8;
	[tilespmem:$0x10100] =	vst v63  }
0x3a: {  	s8 =	rddreg [dreg:$0x8]  }
0x3b: {  	[tilespmem:s8], [sflag:$0x1] =	stream.indirect_vreg.gather [hbm4b:s5+s2], $0x80, v3, vm0, $0xb8;
	[tilespmem:$0x10100] =	vst v63  }
0x3c: {  	s4 =	rddreg [dreg:$0x9]  }
0x3d: {  	[tilespmem:s4], [sflag:$0x1] =	stream.indirect_vreg.gather [hbm4b:s6+s2], $0x80, v3, vm0, $0xb8;
	[tilespmem:$0x10100] =	vst v63  }
0x3e: {  	s8 =	rddreg [dreg:$0xa]  }
0x3f: {  	[tilespmem:s8], [sflag:$0x1] =	stream.indirect_vreg.gather [hbm4b:s7+s2], $0x80, v3, vm0, $0xb8;
	[tilespmem:$0x10100] =	vst v63  }
0x40: {  	v3 =	vld [tilespmem:s31+$0xFFFFFFF0];
	_ =	sdelay $0x4  }
0x41: {  	v61 =	vshll.u32 v3, $0x3  }
0x42: {  	v3 =	vand.u32 $0x7, v3;
	v4 =	vand.u32 $0xFFFFFFC0, v61  }
0x43: {  	v3 =	vor.u32 v3, v4  }
0x44: {  	v4 =	vperm.xlane v3, v0;
	_ =	sdelay $0x1  }
0x45: {  	v4 =	vadd.s32 v1, v4;
	_ =	sdelay $0x3  }
0x46: {  	s4 =	rddreg [dreg:$0xb]  }
0x47: {  	[tilespmem:s4], [sflag:$0x1] =	stream.indirect_vreg.gather [hbm4b:s1+s2], $0x80, v4, vm0, $0xb8;
	[tilespmem:$0x10100] =	vst v63  }
0x48: {  	s8 =	rddreg [dreg:$0xc];
	v3 =	vperm.xlane v3, v2  }
0x49: {  	[tilespmem:s8], [sflag:$0x1] =	stream.indirect_vreg.gather [hbm4b:s5+s2], $0x80, v4, vm0, $0xb8;
	[tilespmem:$0x10100] =	vst v63  }
0x4a: {  	s3 =	rddreg [dreg:$0xd];
	v3 =	vadd.s32 v1, v3  }
0x4b: {  	[tilespmem:s3], [sflag:$0x1] =	stream.indirect_vreg.gather [hbm4b:s6+s2], $0x80, v4, vm0, $0xb8;
	[tilespmem:$0x10100] =	vst v63  }
0x4c: {  	s8 =	rddreg [dreg:$0xe]  }
0x4d: {  	[tilespmem:s8], [sflag:$0x1] =	stream.indirect_vreg.gather [hbm4b:s7+s2], $0x80, v4, vm0, $0xb8;
	[tilespmem:$0x10100] =	vst v63  }
0x4e: {  	s3 =	rddreg [dreg:$0xf]  }
0x4f: {  	[tilespmem:s3], [sflag:$0x1] =	stream.indirect_vreg.gather [hbm4b:s1+s2], $0x80, v3, vm0, $0xb8;
	[tilespmem:$0x10100] =	vst v63  }
0x50: {  	s8 =	rddreg [dreg:$0x10]  }
0x51: {  	[tilespmem:s8], [sflag:$0x1] =	stream.indirect_vreg.gather [hbm4b:s5+s2], $0x80, v3, vm0, $0xb8;
	[tilespmem:$0x10100] =	vst v63  }
0x52: {  	s3 =	rddreg [dreg:$0x11]  }
0x53: {  	[tilespmem:s3], [sflag:$0x1] =	stream.indirect_vreg.gather [hbm4b:s6+s2], $0x80, v3, vm0, $0xb8;
	[tilespmem:$0x10100] =	vst v63  }
0x54: {  	s8 =	rddreg [dreg:$0x12];
	s3 =	simm.s32 @!p0 $0x2  }
0x55: {  	[tilespmem:s8], [sflag:$0x1] =	stream.indirect_vreg.gather [hbm4b:s7+s2], $0x80, v3, vm0, $0xb8;
	[tilespmem:$0x10100] =	vst v63  }
0x56: {  	_ =	swait.ge @!p0 [sflag:s3], $0x8000  }
0x57: {  	[sflag:s3] =	ssyncset.done @!p0 $0x0  }
0x58: {  	[sflag:s3] =	ssyncadd.s32 @!p0 $0xFFFF8000;
	s3 =	sadd.s32 @!p0 s0, s10  }
0x59: {  	s4 =	simm.s32 @!p0 $0x0;
	s8 =	simm.s32 @!p0 $0x8100;
	s3 =	sadd.s32 @!p0 $0xFFFFF000, s3  }
0x5a: {  	[hbm4b:s3+s4] =	stream.linear.scatter @!p0 [tilespmem:s8], [sflag:$0x4], $0x8000, $0x38;
	[tilespmem:$0x10100] =	vst v63  }
0x5b: {  	s3 =	simm.s32 @!p0 $0x4  }
0x5c: {  	_ =	swait.ge @!p0 [sflag:s3], $0x8000  }
0x5d: {  	[sflag:s3] =	ssyncset.done @!p0 $0x0  }
0x5e: {  	[sflag:s3] =	ssyncadd.s32 @!p0 $0xFFFF8000  }
0x5f: {  	v3 =	vld [tilespmem:s31+$0x0];
	_ =	sdelay $0x4  }
0x60: {  	v62 =	vshll.u32 v3, $0x3  }
0x61: {  	v3 =	vand.u32 $0x7, v3;
	v4 =	vand.u32 $0xFFFFFFC0, v62  }
0x62: {  	v3 =	vor.u32 v3, v4  }
0x63: {  	v4 =	vperm.xlane v3, v0;
	_ =	sdelay $0x1  }
0x64: {  	v4 =	vadd.s32 v1, v4;
	_ =	sdelay $0x4  }
0x65: {  	[tilespmem:s13], [sflag:$0x2] =	stream.indirect_vreg.gather [hbm4b:s1+s2], $0x80, v4, vm0, $0xb8;
	[tilespmem:$0x10100] =	vst v63  }
0x66: {  	s4 =	rddreg [dreg:$0x13];
	v3 =	vperm.xlane v3, v2  }
0x67: {  	[tilespmem:s4], [sflag:$0x2] =	stream.indirect_vreg.gather [hbm4b:s5+s2], $0x80, v4, vm0, $0xb8;
	[tilespmem:$0x10100] =	vst v63  }
0x68: {  	s8 =	rddreg [dreg:$0x14];
	v3 =	vadd.s32 v1, v3  }
0x69: {  	[tilespmem:s8], [sflag:$0x2] =	stream.indirect_vreg.gather [hbm4b:s6+s2], $0x80, v4, vm0, $0xb8;
	[tilespmem:$0x10100] =	vst v63  }
0x6a: {  	s3 =	rddreg [dreg:$0x15]  }
0x6b: {  	[tilespmem:s3], [sflag:$0x2] =	stream.indirect_vreg.gather [hbm4b:s7+s2], $0x80, v4, vm0, $0xb8;
	[tilespmem:$0x10100] =	vst v63  }
0x6c: {  	s8 =	rddreg [dreg:$0x16]  }
0x6d: {  	[tilespmem:s8], [sflag:$0x2] =	stream.indirect_vreg.gather [hbm4b:s1+s2], $0x80, v3, vm0, $0xb8;
	[tilespmem:$0x10100] =	vst v63  }
0x6e: {  	_ = 	snop  }
0x6f: {  	[tilespmem:s14], [sflag:$0x2] =	stream.indirect_vreg.gather [hbm4b:s5+s2], $0x80, v3, vm0, $0xb8;
	[tilespmem:$0x10100] =	vst v63  }
0x70: {  	_ = 	snop  }
0x71: {  	[tilespmem:s15], [sflag:$0x2] =	stream.indirect_vreg.gather [hbm4b:s6+s2], $0x80, v3, vm0, $0xb8;
	[tilespmem:$0x10100] =	vst v63  }
0x72: {  	_ = 	snop  }
0x73: {  	[tilespmem:s16], [sflag:$0x2] =	stream.indirect_vreg.gather [hbm4b:s7+s2], $0x80, v3, vm0, $0xb8;
	[tilespmem:$0x10100] =	vst v63  }
0x74: {  	v3 =	vld [tilespmem:s31+$0x10];
	_ =	sdelay $0x4  }
0x75: {  	v63 =	vshll.u32 v3, $0x3  }
0x76: {  	v3 =	vand.u32 $0x7, v3;
	v4 =	vand.u32 $0xFFFFFFC0, v63  }
0x77: {  	v3 =	vor.u32 v3, v4  }
0x78: {  	v4 =	vperm.xlane v3, v0;
	_ =	sdelay $0x1  }
0x79: {  	v4 =	vadd.s32 v1, v4;
	_ =	sdelay $0x4  }
0x7a: {  	[tilespmem:s17], [sflag:$0x2] =	stream.indirect_vreg.gather [hbm4b:s1+s2], $0x80, v4, vm0, $0xb8;
	[tilespmem:$0x10100] =	vst v63  }
0x7b: {  	v3 =	vperm.xlane v3, v2  }
0x7c: {  	[tilespmem:s18], [sflag:$0x2] =	stream.indirect_vreg.gather [hbm4b:s5+s2], $0x80, v4, vm0, $0xb8;
	[tilespmem:$0x10100] =	vst v63  }
0x7d: {  	v3 =	vadd.s32 v1, v3  }
0x7e: {  	[tilespmem:s19], [sflag:$0x2] =	stream.indirect_vreg.gather [hbm4b:s6+s2], $0x80, v4, vm0, $0xb8;
	[tilespmem:$0x10100] =	vst v63  }
0x7f: {  	_ = 	snop  }
0x80: {  	[tilespmem:s20], [sflag:$0x2] =	stream.indirect_vreg.gather [hbm4b:s7+s2], $0x80, v4, vm0, $0xb8;
	[tilespmem:$0x10100] =	vst v63  }
0x81: {  	_ = 	snop  }
0x82: {  	[tilespmem:s21], [sflag:$0x2] =	stream.indirect_vreg.gather [hbm4b:s1+s2], $0x80, v3, vm0, $0xb8;
	[tilespmem:$0x10100] =	vst v63  }
0x83: {  	_ = 	snop  }
0x84: {  	[tilespmem:s22], [sflag:$0x2] =	stream.indirect_vreg.gather [hbm4b:s5+s2], $0x80, v3, vm0, $0xb8;
	[tilespmem:$0x10100] =	vst v63  }
0x85: {  	s8 =	sadd.s32 s0, s10;
	s0 =	sadd.s32 $0x2000, s0  }
0x86: {  	[tilespmem:s23], [sflag:$0x2] =	stream.indirect_vreg.gather [hbm4b:s6+s2], $0x80, v3, vm0, $0xb8;
	[tilespmem:$0x10100] =	vst v63  }
0x87: {  	p0 =	sne.s32 s0, $0x8000  }
0x88: {  	[tilespmem:s24], [sflag:$0x2] =	stream.indirect_vreg.gather [hbm4b:s7+s2], $0x80, v3, vm0, $0xb8;
	[tilespmem:$0x10100] =	vst v63  }
.Ltmp0:
0x89: {  	_ = 	snop;
	(pc) =	sbr.rel @p0 .LBB2_2-.Ltmp0, $4  }
0x8a: {  	_ =	swait.ge [sflag:s25], $0x8000  }
0x8b: {  	[sflag:s25] =	ssyncset.done $0x0  }
0x8c: {  	s31 =	sadd.s32 $0x40, s31;
	[sflag:s25] =	ssyncadd.s32 $0xFFFF8000  }
0x8d: {  	[hbm4b:s8+s2] =	stream.linear.scatter [tilespmem:s12], [sflag:$0x3], $0x8000, $0x38;
	[tilespmem:$0x10100] =	vst v63  }
0x8e: {  	_ =	swait.ge [sflag:s26], $0x8000  }
0x8f: {  	[sflag:s26] =	ssyncset.done $0x0  }
0x90: {  	s30 =	sadd.s32 $0x1, s30;
	s0 =	rddreg [dreg:$0x18];
	[sflag:s26] =	ssyncadd.s32 $0xFFFF8000  }
0x91: {  	[hbm4b:s0+s2] =	stream.linear.scatter [tilespmem:s13], [sflag:$0x4], $0x8000, $0x38;
	[tilespmem:$0x10100] =	vst v63  }
0x92: {  	p0 =	sne.s32 s30, s9;
	_ =	swait.ge [sflag:s28], $0x8000  }
.Ltmp1:
0x93: {  	[sflag:s28] =	ssyncset.done $0x0;
	(pc) =	sbr.rel @p0 .LBB2_1-.Ltmp1, $4  }
0x94: {  	[sflag:s28] =	ssyncadd.s32 $0xFFFF8000  }
0x95: {  	_ =	swait.ge [sflag:s29], $0x8000  }
0x96: {  	[sflag:s29] =	ssyncset.done $0x0  }
0x97: {  	[sflag:s29] =	ssyncadd.s32 $0xFFFF8000  }
0x98: {  	_ =	sfence.sel $0x180000  }
0x99: {  	[bflag:$0x0] =	sbarrier.arrive $0xFFFF  }
0x9a: {  	_ =	strace $0x90000047  }
0x9b: {  	s0 =	stileid.u32;
	[bflag:$0x2] =	sbarrier.arrive $0xFFFF  }
0x9c: {  	p0 =	sne.s32 s0, $0x0;
	s0 =	rddreg [dreg:$0x3]  }
0x9d: {  	s0 =	sadd.s32 @!p0 $0x100000, s0  }
0x9e: {  	[sflag:s0] =	ssyncadd.tile.s32 @!p0 $0x1;
	_ =	shalt  }
.Lfunc_end2:
_tile_overlayer_lowered:
.L_overlay_start_2:
0x9f: {  	(tag) =	ssettag $0x2  }
0xa0: {  	s0 =	rddreg [dreg:$0x0];
	s2 =	stileid.u32  }
0xa1: {  	s1 =	rddreg [dreg:$0x1];
	p0 =	sne.s32 s2, $0x0  }
0xa2: {  	s3 =	rddreg [dreg:$0x2];
	[bflag:$0x3] =	sbarrier.arrive $0xFFFF;
	s2 =	simm.s32 @!p0 $0x1C05  }
0xa3: {  	[timem:s3], [sflag:s2] =	dma.local @!p0 [hbm:s0], s1  }
0xa4: {  	s0 =	simm.s32 @!p0 $0x5  }
0xa5: {  	_ =	swait.ge @!p0 [sflag:s0], s1  }
0xa6: {  	s1 =	ssub.s32 @!p0 $0x0, s1;
	[sflag:s0] =	ssyncset.done @!p0 $0x0  }
0xa7: {  	[sflag:s0] =	ssyncadd.s32 @!p0 s1  }
0xa8: {  	[bflag:$0x3] =	sbarrier.arrive $0xFFFF  }
0xa9: {  	_ =	shalt  }

</sc_bundles>
